<compile_context>
chip_gen: v7x
topology: tpu7x:2x2x1
jax: 0.10.2.dev20260603
libtpu: 0.0.44.dev20260713+nightly
codegen_flags: <defaults>
</compile_context>

<pallas_src>
import functools

import jax
import jax.numpy as jnp
from jax import lax
from jax.experimental import pallas as pl
from jax.experimental.pallas import tpu as pltpu
from jax.experimental.pallas import tpu_sc as plsc

NC, NS = 2, 16
NW = NC * NS
F = 128
EPS = 1e-5
NUM_GRAPHS = 64


def _sc_mesh():
    return plsc.VectorSubcoreMesh(core_axis_name="c", subcore_axis_name="s",
                                  num_cores=NC, num_subcores=NS)


@functools.partial(jax.jit, static_argnames=("n_nodes", "e_pad2"))
def _sc_gather(P, Q, dsts2, srcs2, *, n_nodes, e_pad2):
    CH = 128
    nch = e_pad2 // CH // NW
    per_w = nch * CH

    @functools.partial(
        pl.kernel, mesh=_sc_mesh(),
        out_type=(jax.ShapeDtypeStruct((e_pad2, F), jnp.float32),
                  jax.ShapeDtypeStruct((e_pad2, F), jnp.float32)),
        scratch_types=[
            pltpu.VMEM((CH,), jnp.int32),
            pltpu.VMEM((CH,), jnp.int32),
            pltpu.VMEM((CH, F), jnp.float32),
            pltpu.VMEM((CH, F), jnp.float32),
            pltpu.SemaphoreType.DMA,
        ],
    )
    def gather_k(p_hbm, q_hbm, d_hbm, s_hbm, pg_hbm, qg_hbm,
                 idxd, idxs, rowsp, rowsq, sem):
        wid = lax.axis_index("s") * NC + lax.axis_index("c")
        base = wid * per_w

        def chunk(c, _):
            off = pl.multiple_of(base + c * CH, 8)
            pltpu.sync_copy(d_hbm.at[pl.ds(off, CH)], idxd)
            pltpu.sync_copy(s_hbm.at[pl.ds(off, CH)], idxs)
            cp = pltpu.async_copy(p_hbm.at[idxd], rowsp, sem)
            cq = pltpu.async_copy(q_hbm.at[idxs], rowsq, sem)
            cp.wait()
            cq.wait()
            pltpu.sync_copy(rowsp, pg_hbm.at[pl.ds(off, CH)])
            pltpu.sync_copy(rowsq, qg_hbm.at[pl.ds(off, CH)])
            return 0

        lax.fori_loop(0, nch, chunk, 0)

    return gather_k(P, Q, dsts2, srcs2)


@functools.partial(jax.jit, static_argnames=("n_pad", "e_pad"))
def _sc_segmax(z_flat, dst_pad, ws_pad, *, n_pad, e_pad):
    per_n = n_pad // NW
    CH = 128
    acc_w = (per_n + 1) * F

    @functools.partial(
        pl.kernel, mesh=_sc_mesh(),
        out_type=jax.ShapeDtypeStruct((n_pad * F,), jnp.float32),
        scratch_types=[
            pltpu.VMEM((acc_w,), jnp.float32),
            pltpu.VMEM((2 * CH * F,), jnp.float32),
            pltpu.VMEM((2 * CH,), jnp.int32),
            pltpu.VMEM((NW * 16,), jnp.int32),
            pltpu.SemaphoreType.DMA,
            pltpu.SemaphoreType.DMA,
        ],
    )
    def segmax_k(z_hbm, d_hbm, ws_hbm, agg_hbm, acc, zbuf, dbuf, wsv,
                 semz, semd):
        wid = lax.axis_index("s") * NC + lax.axis_index("c")
        n0 = wid * per_n
        neg = jnp.full((16,), -jnp.inf, jnp.float32)

        def initb(i, _):
            acc[pl.ds(i * 16, 16)] = neg
            return 0

        lax.fori_loop(0, acc_w // 16, initb, 0)

        pltpu.sync_copy(ws_hbm, wsv)
        wsrow = wsv[pl.ds(wid * 16, 16)]
        e_lo = wsrow[0]
        e_hi = wsrow[1]
        e_lo_al = (e_lo // 8) * 8
        nch = (e_hi - e_lo_al + CH - 1) // CH

        def dcp(off, b):
            return pltpu.make_async_copy(
                d_hbm.at[pl.ds(off, CH)], dbuf.at[pl.ds(b * CH, CH)], semd)

        def zcp(off, b):
            return pltpu.make_async_copy(
                z_hbm.at[pl.ds(off * F, CH * F)],
                zbuf.at[pl.ds(b * CH * F, CH * F)], semz)

        @pl.when(nch > 0)
        def _():
            dcp(e_lo_al, 0).start()
            zcp(e_lo_al, 0).start()

        def row_off(d):
            inr = jnp.logical_and(d >= n0, d < n0 + per_n)
            return jnp.where(inr, d - n0, per_n) * F

        def flush(dprev, mv):
            ro = row_off(dprev)
            for k in range(F // 16):
                a = acc[pl.ds(ro + k * 16, 16)]
                acc[pl.ds(ro + k * 16, 16)] = jnp.maximum(a, mv[k])

        def chunk(c, carry):
            b = lax.rem(c, 2)
            off = pl.multiple_of(e_lo_al, 8) + c * CH
            dcp(off, b).wait()
            zcp(off, b).wait()

            @pl.when(c + 1 < nch)
            def _():
                dcp(off + CH, 1 - b).start()
                zcp(off + CH, 1 - b).start()

            def grp16(g, carry):
                dv = dbuf[pl.ds(b * CH + g * 16, 16)]

                def edge(j, carry):
                    dprev, mv = carry
                    d = dv[j]
                    zo = (b * CH + g * 16 + j) * F
                    zrow = tuple(zbuf[pl.ds(zo + k * 16, 16)]
                                 for k in range(F // 16))
                    new = d != dprev

                    @pl.when(new)
                    def _():
                        flush(dprev, mv)

                    mv2 = tuple(
                        jnp.where(new, zrow[k], jnp.maximum(mv[k], zrow[k]))
                        for k in range(F // 16))
                    return (d, mv2)

                for j in range(16):
                    carry = edge(j, carry)
                return carry

            return lax.fori_loop(0, CH // 16, grp16, carry)

        carry0 = (jnp.int32(-1), tuple(neg for _ in range(F // 16)))
        dlast, mlast = lax.fori_loop(0, nch, chunk, carry0)
        flush(dlast, mlast)

        out_off = pl.multiple_of(n0 * F, 8)
        pltpu.sync_copy(acc.at[pl.ds(0, per_n * F)],
                        agg_hbm.at[pl.ds(out_off, per_n * F)])

    return segmax_k(z_flat, dst_pad, ws_pad)


def _msg_call(xi, xj, w1, b1, e_pad, blk, nblk):

    def body(xi_ref, xj_ref, w1_ref, b1_ref, m_ref, st_ref):
        @pl.when(pl.program_id(0) == 0)
        def _():
            st_ref[...] = jnp.zeros_like(st_ref)

        xi_v = xi_ref[...]
        cc = jnp.concatenate([xi_v, xj_ref[...] - xi_v], axis=1)
        m = jnp.dot(cc, w1_ref[...],
                    preferred_element_type=jnp.float32) + b1_ref[...]
        m_ref[...] = m
        st_ref[0:1, :] = st_ref[0:1, :] + jnp.sum(m, 0, keepdims=True)
        st_ref[1:2, :] = st_ref[1:2, :] + jnp.sum(m * m, 0, keepdims=True)

    return pl.pallas_call(
        body,
        grid=(nblk,),
        in_specs=[pl.BlockSpec((blk, F), lambda i: (i, 0)),
                  pl.BlockSpec((blk, F), lambda i: (i, 0)),
                  pl.BlockSpec((2 * F, F), lambda i: (0, 0)),
                  pl.BlockSpec((1, F), lambda i: (0, 0))],
        out_specs=(pl.BlockSpec((blk, F), lambda i: (i, 0)),
                   pl.BlockSpec((8, F), lambda i: (0, 0))),
        out_shape=(jax.ShapeDtypeStruct((e_pad, F), jnp.float32),
                   jax.ShapeDtypeStruct((8, F), jnp.float32)),
    )(xi, xj, w1, b1)


def _edge_call(m, st, pv, w2, n_edges, e_pad, blk, nblk):
    inv_e = 1.0 / n_edges

    def body(m_ref, st_ref, pv_ref, w2_ref, z_ref):
        mu = st_ref[0:1, :] * inv_e
        var = st_ref[1:2, :] * inv_e - mu * mu
        t = ((m_ref[...] - mu) / jnp.sqrt(var + EPS) * pv_ref[0:1, :]
             + pv_ref[1:2, :])
        t = jnp.maximum(t, 0.0)
        z_ref[...] = jnp.dot(t, w2_ref[...],
                             preferred_element_type=jnp.float32) + pv_ref[2:3, :]

    return pl.pallas_call(
        body,
        grid=(nblk,),
        in_specs=[pl.BlockSpec((blk, F), lambda i: (i, 0)),
                  pl.BlockSpec((8, F), lambda i: (0, 0)),
                  pl.BlockSpec((8, F), lambda i: (0, 0)),
                  pl.BlockSpec((F, F), lambda i: (0, 0))],
        out_specs=pl.BlockSpec((blk, F), lambda i: (i, 0)),
        out_shape=jax.ShapeDtypeStruct((e_pad, F), jnp.float32),
    )(m, st, pv, w2)


def _node_call(agg, gb, n):
    inv_n = 1.0 / n

    def body(a_ref, gb_ref, h_ref):
        a = a_ref[...]
        a = jnp.where(jnp.isfinite(a), a, 0.0)
        m = jnp.sum(a, 0, keepdims=True) * inv_n
        v = jnp.sum(a * a, 0, keepdims=True) * inv_n - m * m
        hn = (a - m) / jnp.sqrt(v + EPS) * gb_ref[0:1, :] + gb_ref[1:2, :]
        h_ref[...] = jnp.maximum(hn, 0.0)

    return pl.pallas_call(
        body,
        grid=(1,),
        in_specs=[pl.BlockSpec((n, F), lambda i: (0, 0)),
                  pl.BlockSpec((8, F), lambda i: (0, 0))],
        out_specs=pl.BlockSpec((n, F), lambda i: (0, 0)),
        out_shape=jax.ShapeDtypeStruct((n, F), jnp.float32),
    )(agg, gb)


def _pool_call(h1, h2, h3, oh, wj1, wj2, wj3, bjk, n, blk, nblk):
    def body(h1_ref, h2_ref, h3_ref, oh_ref, w1_ref, w2_ref, w3_ref, bj_ref,
             g_ref):
        @pl.when(pl.program_id(0) == 0)
        def _():
            g_ref[...] = jnp.zeros_like(g_ref)

        hb = (jnp.dot(h1_ref[...], w1_ref[...],
                      preferred_element_type=jnp.float32)
              + jnp.dot(h2_ref[...], w2_ref[...],
                        preferred_element_type=jnp.float32)
              + jnp.dot(h3_ref[...], w3_ref[...],
                        preferred_element_type=jnp.float32)
              + bj_ref[...])
        g_ref[...] = g_ref[...] + lax.dot_general(
            oh_ref[...], hb, (((0,), (0,)), ((), ())),
            preferred_element_type=jnp.float32, precision=lax.Precision.HIGHEST)

    return pl.pallas_call(
        body,
        grid=(nblk,),
        in_specs=[pl.BlockSpec((blk, F), lambda i: (i, 0)),
                  pl.BlockSpec((blk, F), lambda i: (i, 0)),
                  pl.BlockSpec((blk, F), lambda i: (i, 0)),
                  pl.BlockSpec((blk, NUM_GRAPHS), lambda i: (i, 0)),
                  pl.BlockSpec((F, F), lambda i: (0, 0)),
                  pl.BlockSpec((F, F), lambda i: (0, 0)),
                  pl.BlockSpec((F, F), lambda i: (0, 0)),
                  pl.BlockSpec((1, F), lambda i: (0, 0))],
        out_specs=pl.BlockSpec((NUM_GRAPHS, F), lambda i: (0, 0)),
        out_shape=jax.ShapeDtypeStruct((NUM_GRAPHS, F), jnp.float32),
    )(h1, h2, h3, oh, wj1, wj2, wj3, bjk)


def _cls_call(g, wc1, bc1, gc, bc, wc2, bc2):
    ng = g.shape[0]
    h2 = wc1.shape[1]
    nc = wc2.shape[1]
    inv = 1.0 / ng

    def body(g_ref, w1_ref, b1_ref, gc_ref, bc_ref, w2_ref, b2_ref, o_ref):
        a = jnp.dot(g_ref[...], w1_ref[...],
                    preferred_element_type=jnp.float32) + b1_ref[...]
        m = jnp.sum(a, 0, keepdims=True) * inv
        v = jnp.sum(a * a, 0, keepdims=True) * inv - m * m
        a = (a - m) / jnp.sqrt(v + EPS) * gc_ref[...] + bc_ref[...]
        a = jnp.maximum(a, 0.0)
        o_ref[...] = jnp.dot(a, w2_ref[...],
                             preferred_element_type=jnp.float32) + b2_ref[...]

    return pl.pallas_call(
        body,
        out_shape=jax.ShapeDtypeStruct((ng, nc), jnp.float32),
    )(g, wc1, bc1, gc, bc, wc2, bc2)


def kernel(x, edge_index, batch, params):
    n, f = x.shape
    e = edge_index.shape[1]
    assert f == F and e % NW == 0

    per_n = -(-n // NW)
    n_pad = per_n * NW
    e_pad = e + 128
    gch = 128 * NW
    nch_w = -(-e // gch)
    nch_w = ((nch_w + 7) // 8) * 8
    e_pad2 = nch_w * gch

    src = edge_index[0]
    dst = edge_index[1]
    dst_s, src_s = lax.sort((dst, src), num_keys=1)
    bounds = jnp.arange(NW + 1, dtype=jnp.int32) * per_n
    ws = jnp.searchsorted(dst_s, bounds, side="left").astype(jnp.int32)
    ws_pad = (jnp.zeros((NW, 16), jnp.int32)
              .at[:, 0].set(ws[:-1]).at[:, 1].set(ws[1:]).reshape(-1))
    dst_pad = jnp.concatenate(
        [dst_s, jnp.full((e_pad - e,), n_pad, jnp.int32)])
    dst2 = jnp.concatenate([dst_s, jnp.zeros((e_pad2 - e,), jnp.int32)])
    src2 = jnp.concatenate([src_s, jnp.zeros((e_pad2 - e,), jnp.int32)])
    oh = jax.nn.one_hot(batch, NUM_GRAPHS, dtype=jnp.float32)

    blk_e, nblk_e = 2000, e // 2000
    blk_n, nblk_n = 2000, n // 2000

    convs = params["convs"]
    h = x
    hs = []
    for l in range(len(convs)):
        c = convs[l]
        pv = jnp.stack([c["g1"], c["be1"], c["b2"],
                        jnp.zeros(F), jnp.zeros(F), jnp.zeros(F),
                        jnp.zeros(F), jnp.zeros(F)]).astype(jnp.float32)
        gb = jnp.stack([c["gn"], c["bn"],
                        jnp.zeros(F), jnp.zeros(F), jnp.zeros(F),
                        jnp.zeros(F), jnp.zeros(F), jnp.zeros(F)]).astype(
                            jnp.float32)
        Xi, Xj = _sc_gather(h, h, dst2, src2, n_nodes=n, e_pad2=e_pad2)
        m, st = _msg_call(Xi, Xj, c["W1"], c["b1"].reshape(1, F),
                          e_pad, blk_e, nblk_e)
        z = _edge_call(m, st, pv, c["W2"], e, e_pad, blk_e, nblk_e)
        agg_f = _sc_segmax(z.reshape(-1), dst_pad, ws_pad,
                           n_pad=n_pad, e_pad=e_pad)
        agg = agg_f.reshape(n_pad, F)
        h = _node_call(agg, gb, n)
        hs.append(h)

    wjk = params["Wjk"]
    G = _pool_call(hs[0], hs[1], hs[2], oh,
                   wjk[0:F], wjk[F:2 * F], wjk[2 * F:3 * F],
                   params["bjk"].reshape(1, F), n, blk_n, nblk_n)
    out = _cls_call(G, params["Wc1"], params["bc1"].reshape(1, -1),
                    params["gc"].reshape(1, -1), params["bc"].reshape(1, -1),
                    params["Wc2"], params["bc2"].reshape(1, -1))
    return out

# --- scband reference (transcript-rebuilt; emitter-appended) ---
"""Pipeline reference for scband-edge-conv-27908697490048 (READ-ONLY COPY).

The authoritative reference and input builder live on the scoring server;
editing this copy changes nothing except your own understanding.
"""

import jax, jax.numpy as jnp
import numpy as np

N_NODES = 10000
N_EDGES = 320000
IN_FEAT = 128
H_FEAT = 128
NUM_CLASSES = 16
NUM_GRAPHS = 64
NUM_LAYERS = 3
EPS = 1e-5


def _bn(x, g, b):
    m = jnp.mean(x, axis=0)
    v = jnp.var(x, axis=0)
    return (x - m) / jnp.sqrt(v + EPS) * g + b


def _lin_init(key, fin, fout):
    W = jax.random.normal(key, (fin, fout), jnp.float32) * (1.0 / np.sqrt(fin))
    b = jnp.zeros((fout,), jnp.float32)
    return W, b


def setup_inputs(seed: int = 0) -> dict:
    key = jax.random.key(seed)
    x = jax.random.normal(jax.random.fold_in(key, 0), (N_NODES, IN_FEAT), jnp.float32)
    edge_index = jax.random.randint(jax.random.fold_in(key, 1), (2, N_EDGES), 0, N_NODES, jnp.int32)
    batch = jnp.sort(jax.random.randint(jax.random.fold_in(key, 2), (N_NODES,), 0, NUM_GRAPHS, jnp.int32))
    params = {'convs': []}
    fin = IN_FEAT
    for i in range(NUM_LAYERS):
        k = jax.random.fold_in(key, 10 + i)
        ka, kb = jax.random.split(k)
        W1, b1 = _lin_init(ka, 2 * fin, H_FEAT)
        W2, b2 = _lin_init(kb, H_FEAT, H_FEAT)
        params['convs'].append({'W1': W1, 'b1': b1, 'g1': jnp.ones(H_FEAT), 'be1': jnp.zeros(H_FEAT), 'W2': W2, 'b2': b2, 'gn': jnp.ones(H_FEAT), 'bn': jnp.zeros(H_FEAT)})
        fin = H_FEAT
    params['Wjk'], params['bjk'] = _lin_init(jax.random.fold_in(key, 20), NUM_LAYERS * H_FEAT, H_FEAT)
    params['Wc1'], params['bc1'] = _lin_init(jax.random.fold_in(key, 21), H_FEAT, 2 * H_FEAT)
    params['gc'] = jnp.ones(2 * H_FEAT)
    params['bc'] = jnp.zeros(2 * H_FEAT)
    params['Wc2'], params['bc2'] = _lin_init(jax.random.fold_in(key, 22), 2 * H_FEAT, NUM_CLASSES)
    return {'x': x, 'edge_index': edge_index, 'batch': batch, 'params': params}


def _edge_conv(h, src, dst, p):
    # PyG EdgeConv: message = MLP([x_i, x_j - x_i]); aggr = max over incoming edges
    xi = h[dst]
    xj = h[src]
    m = jnp.concatenate([xi, xj - xi], axis=-1)
    m = m @ p['W1'] + p['b1']
    m = _bn(m, p['g1'], p['be1'])
    m = jax.nn.relu(m)
    # dropout: identity (eval mode)
    m = m @ p['W2'] + p['b2']
    agg = jax.ops.segment_max(m, dst, num_segments=N_NODES)
    agg = jnp.where(jnp.isfinite(agg), agg, 0.0)
    return agg


def reference(x, edge_index, batch, params):
    src = edge_index[0]
    dst = edge_index[1]
    h = x
    xs = []
    for i in range(NUM_LAYERS):
        p = params['convs'][i]
        h = _edge_conv(h, src, dst, p)
        h = _bn(h, p['gn'], p['bn'])  # outer BatchNorm of BasicGNN
        h = jax.nn.relu(h)
        # dropout: identity (eval mode)
        xs.append(h)
    h = jnp.concatenate(xs, axis=-1)  # jk='cat'
    h = h @ params['Wjk'] + params['bjk']
    g = jax.ops.segment_sum(h, batch, num_segments=NUM_GRAPHS)  # global_add_pool
    g = g @ params['Wc1'] + params['bc1']
    g = _bn(g, params['gc'], params['bc'])
    g = jax.nn.relu(g)
    g = g @ params['Wc2'] + params['bc2']
    return g

if __name__ == "__main__":
    import jax
    _d = setup_inputs()
    print(jax.jit(kernel)(*tuple(_d.values())))

</pallas_src>

<mosaic_0001>
#map = affine_map<(d0, d1) -> (0, 0)>
#map1 = affine_map<(d0, d1) -> (0)>
module attributes {stable_mosaic.version = 14 : i64} {
  func.func @gather_k(%arg0: i32, %arg1: i32, %arg2: memref<10000x128xf32, #tpu.memory_space<hbm>>, %arg3: memref<10000x128xf32, #tpu.memory_space<hbm>>, %arg4: memref<327680xi32, #tpu.memory_space<hbm>>, %arg5: memref<327680xi32, #tpu.memory_space<hbm>>, %arg6: memref<327680x128xf32, #tpu.memory_space<hbm>>, %arg7: memref<327680x128xf32, #tpu.memory_space<hbm>>, %arg8: memref<128xi32, #tpu.memory_space<vmem>>, %arg9: memref<128xi32, #tpu.memory_space<vmem>>, %arg10: memref<128x128xf32, #tpu.memory_space<vmem>>, %arg11: memref<128x128xf32, #tpu.memory_space<vmem>>, %arg12: memref<!tpu.dma_semaphore, #tpu.memory_space<semaphore_mem>>) attributes {dimension_semantics = [#tpu.dimension_semantics<core_parallel>, #tpu.dimension_semantics<subcore_parallel>], iteration_bounds = array<i64: 2, 16>, scalar_prefetch = 0 : i64, scratch_operands = 5 : i64, tpu.core_type = #tpu.core_type<sc_vector_subcore>, window_params = [{transform_indices = #map}, {transform_indices = #map}, {transform_indices = #map1}, {transform_indices = #map1}, {transform_indices = #map}, {transform_indices = #map}]} {
    %mul3A = arith.constant 2 : i32
    %mul3A_0 = arith.muli %arg1, %mul3A : i32
    %add3A = arith.addi %mul3A_0, %arg0 : i32
    %mul3A_1 = arith.constant 10240 : i32
    %mul3A_2 = arith.muli %add3A, %mul3A_1 : i32
    %scan3A = arith.constant 0 : i32
    %scan3A_3 = arith.constant 0 : i32
    %scan3A_4 = arith.constant 80 : i32
    %scan3A_5 = arith.addi %scan3A_3, %scan3A_4 : i32
    %scan3A_6 = arith.constant 1 : i32
    %scan3A_7 = scf.for %scan3A_9 = %scan3A_3 to %scan3A_5 step %scan3A_6 iter_args(%scan3A_10 = %scan3A) -> (i32)  : i32 {
      %mul3A_11 = arith.constant 128 : i32
      %mul3A_12 = arith.muli %scan3A_9, %mul3A_11 : i32
      %add3A_13 = arith.addi %mul3A_2, %mul3A_12 : i32
      %multiple_of3A = tpu.assume_multiple %add3A_13, 8 : i32
      "tpu.region"() ({
        %run_scoped3A = tpu.sem_alloc : memref<!tpu.dma_semaphore, #tpu.memory_space<semaphore_mem>>
        %dma_start3A_25 = tpu.memref_slice %arg4[%multiple_of3A] : memref<327680xi32, #tpu.memory_space<hbm>> -> memref<128xi32, #tpu.memory_space<hbm>>
        %dma_start3A_26 = tpu.memref_slice %arg4[%multiple_of3A] : memref<327680xi32, #tpu.memory_space<hbm>> -> memref<128xi32, #tpu.memory_space<hbm>>
        tpu.enqueue_dma source(%dma_start3A_26 : memref<128xi32, #tpu.memory_space<hbm>>) target(%arg8 : memref<128xi32, #tpu.memory_space<vmem>>) target_semaphore(%run_scoped3A : memref<!tpu.dma_semaphore, #tpu.memory_space<semaphore_mem>>)
        %dma_wait3A_27 = tpu.memref_slice %arg4[%multiple_of3A] : memref<327680xi32, #tpu.memory_space<hbm>> -> memref<128xi32, #tpu.memory_space<hbm>>
        %dma_wait3A_28 = tpu.memref_slice %arg4[%multiple_of3A] : memref<327680xi32, #tpu.memory_space<hbm>> -> memref<128xi32, #tpu.memory_space<hbm>>
        tpu.wait_dma2 semaphore(%run_scoped3A : memref<!tpu.dma_semaphore, #tpu.memory_space<semaphore_mem>>) src(%dma_wait3A_28 : memref<128xi32, #tpu.memory_space<hbm>>) dst(%arg8 : memref<128xi32, #tpu.memory_space<vmem>>)
        tpu.yield
      }) : () -> ()
      "tpu.region"() ({
        %run_scoped3A = tpu.sem_alloc : memref<!tpu.dma_semaphore, #tpu.memory_space<semaphore_mem>>
        %dma_start3A_25 = tpu.memref_slice %arg5[%multiple_of3A] : memref<327680xi32, #tpu.memory_space<hbm>> -> memref<128xi32, #tpu.memory_space<hbm>>
        %dma_start3A_26 = tpu.memref_slice %arg5[%multiple_of3A] : memref<327680xi32, #tpu.memory_space<hbm>> -> memref<128xi32, #tpu.memory_space<hbm>>
        tpu.enqueue_dma source(%dma_start3A_26 : memref<128xi32, #tpu.memory_space<hbm>>) target(%arg9 : memref<128xi32, #tpu.memory_space<vmem>>) target_semaphore(%run_scoped3A : memref<!tpu.dma_semaphore, #tpu.memory_space<semaphore_mem>>)
        %dma_wait3A_27 = tpu.memref_slice %arg5[%multiple_of3A] : memref<327680xi32, #tpu.memory_space<hbm>> -> memref<128xi32, #tpu.memory_space<hbm>>
        %dma_wait3A_28 = tpu.memref_slice %arg5[%multiple_of3A] : memref<327680xi32, #tpu.memory_space<hbm>> -> memref<128xi32, #tpu.memory_space<hbm>>
        tpu.wait_dma2 semaphore(%run_scoped3A : memref<!tpu.dma_semaphore, #tpu.memory_space<semaphore_mem>>) src(%dma_wait3A_28 : memref<128xi32, #tpu.memory_space<hbm>>) dst(%arg9 : memref<128xi32, #tpu.memory_space<vmem>>)
        tpu.yield
      }) : () -> ()
      %dma_start3A = arith.constant 0 : i32
      %dma_start3A_14 = arith.constant 0 : i32
      %dma_start3A_15 = tpu.memref_slice %arg2[%dma_start3A, %dma_start3A_14] : memref<10000x128xf32, #tpu.memory_space<hbm>> -> memref<10000x128xf32, #tpu.memory_space<hbm>>
      tpu.enqueue_indirect_dma source(%dma_start3A_15 : memref<10000x128xf32, #tpu.memory_space<hbm>>) target(%arg10 : memref<128x128xf32, #tpu.memory_space<vmem>>) offsets(%arg8 : memref<128xi32, #tpu.memory_space<vmem>>) semaphore(%arg12 : memref<!tpu.dma_semaphore, #tpu.memory_space<semaphore_mem>>)
      %dma_start3A_16 = arith.constant 0 : i32
      %dma_start3A_17 = arith.constant 0 : i32
      %dma_start3A_18 = tpu.memref_slice %arg3[%dma_start3A_16, %dma_start3A_17] : memref<10000x128xf32, #tpu.memory_space<hbm>> -> memref<10000x128xf32, #tpu.memory_space<hbm>>
      tpu.enqueue_indirect_dma source(%dma_start3A_18 : memref<10000x128xf32, #tpu.memory_space<hbm>>) target(%arg11 : memref<128x128xf32, #tpu.memory_space<vmem>>) offsets(%arg9 : memref<128xi32, #tpu.memory_space<vmem>>) semaphore(%arg12 : memref<!tpu.dma_semaphore, #tpu.memory_space<semaphore_mem>>)
      %dma_wait3A = arith.constant 0 : i32
      %dma_wait3A_19 = arith.constant 0 : i32
      %dma_wait3A_20 = tpu.memref_slice %arg2[%dma_wait3A, %dma_wait3A_19] : memref<10000x128xf32, #tpu.memory_space<hbm>> -> memref<10000x128xf32, #tpu.memory_space<hbm>>
      tpu.wait_indirect_dma semaphore(%arg12 : memref<!tpu.dma_semaphore, #tpu.memory_space<semaphore_mem>>) src(%dma_wait3A_20 : memref<10000x128xf32, #tpu.memory_space<hbm>>) dst(%arg10 : memref<128x128xf32, #tpu.memory_space<vmem>>)
      %dma_wait3A_21 = arith.constant 0 : i32
      %dma_wait3A_22 = arith.constant 0 : i32
      %dma_wait3A_23 = tpu.memref_slice %arg3[%dma_wait3A_21, %dma_wait3A_22] : memref<10000x128xf32, #tpu.memory_space<hbm>> -> memref<10000x128xf32, #tpu.memory_space<hbm>>
      tpu.wait_indirect_dma semaphore(%arg12 : memref<!tpu.dma_semaphore, #tpu.memory_space<semaphore_mem>>) src(%dma_wait3A_23 : memref<10000x128xf32, #tpu.memory_space<hbm>>) dst(%arg11 : memref<128x128xf32, #tpu.memory_space<vmem>>)
      "tpu.region"() ({
        %run_scoped3A = tpu.sem_alloc : memref<!tpu.dma_semaphore, #tpu.memory_space<semaphore_mem>>
        %dma_start3A_25 = arith.constant 0 : i32
        %dma_start3A_26 = tpu.memref_slice %arg6[%multiple_of3A, %dma_start3A_25] : memref<327680x128xf32, #tpu.memory_space<hbm>> -> memref<128x128xf32, #tpu.memory_space<hbm>>
        %dma_start3A_27 = arith.constant 0 : i32
        %dma_start3A_28 = tpu.memref_slice %arg6[%multiple_of3A, %dma_start3A_27] : memref<327680x128xf32, #tpu.memory_space<hbm>> -> memref<128x128xf32, #tpu.memory_space<hbm>>
        tpu.enqueue_dma source(%arg10 : memref<128x128xf32, #tpu.memory_space<vmem>>) target(%dma_start3A_28 : memref<128x128xf32, #tpu.memory_space<hbm>>) target_semaphore(%run_scoped3A : memref<!tpu.dma_semaphore, #tpu.memory_space<semaphore_mem>>)
        %dma_wait3A_29 = arith.constant 0 : i32
        %dma_wait3A_30 = tpu.memref_slice %arg6[%multiple_of3A, %dma_wait3A_29] : memref<327680x128xf32, #tpu.memory_space<hbm>> -> memref<128x128xf32, #tpu.memory_space<hbm>>
        %dma_wait3A_31 = arith.constant 0 : i32
        %dma_wait3A_32 = tpu.memref_slice %arg6[%multiple_of3A, %dma_wait3A_31] : memref<327680x128xf32, #tpu.memory_space<hbm>> -> memref<128x128xf32, #tpu.memory_space<hbm>>
        tpu.wait_dma2 semaphore(%run_scoped3A : memref<!tpu.dma_semaphore, #tpu.memory_space<semaphore_mem>>) src(%arg10 : memref<128x128xf32, #tpu.memory_space<vmem>>) dst(%dma_wait3A_32 : memref<128x128xf32, #tpu.memory_space<hbm>>)
        tpu.yield
      }) : () -> ()
      "tpu.region"() ({
        %run_scoped3A = tpu.sem_alloc : memref<!tpu.dma_semaphore, #tpu.memory_space<semaphore_mem>>
        %dma_start3A_25 = arith.constant 0 : i32
        %dma_start3A_26 = tpu.memref_slice %arg7[%multiple_of3A, %dma_start3A_25] : memref<327680x128xf32, #tpu.memory_space<hbm>> -> memref<128x128xf32, #tpu.memory_space<hbm>>
        %dma_start3A_27 = arith.constant 0 : i32
        %dma_start3A_28 = tpu.memref_slice %arg7[%multiple_of3A, %dma_start3A_27] : memref<327680x128xf32, #tpu.memory_space<hbm>> -> memref<128x128xf32, #tpu.memory_space<hbm>>
        tpu.enqueue_dma source(%arg11 : memref<128x128xf32, #tpu.memory_space<vmem>>) target(%dma_start3A_28 : memref<128x128xf32, #tpu.memory_space<hbm>>) target_semaphore(%run_scoped3A : memref<!tpu.dma_semaphore, #tpu.memory_space<semaphore_mem>>)
        %dma_wait3A_29 = arith.constant 0 : i32
        %dma_wait3A_30 = tpu.memref_slice %arg7[%multiple_of3A, %dma_wait3A_29] : memref<327680x128xf32, #tpu.memory_space<hbm>> -> memref<128x128xf32, #tpu.memory_space<hbm>>
        %dma_wait3A_31 = arith.constant 0 : i32
        %dma_wait3A_32 = tpu.memref_slice %arg7[%multiple_of3A, %dma_wait3A_31] : memref<327680x128xf32, #tpu.memory_space<hbm>> -> memref<128x128xf32, #tpu.memory_space<hbm>>
        tpu.wait_dma2 semaphore(%run_scoped3A : memref<!tpu.dma_semaphore, #tpu.memory_space<semaphore_mem>>) src(%arg11 : memref<128x128xf32, #tpu.memory_space<vmem>>) dst(%dma_wait3A_32 : memref<128x128xf32, #tpu.memory_space<hbm>>)
        tpu.yield
      }) : () -> ()
      %scan3A_24 = arith.constant 0 : i32
      scf.yield %scan3A_24 : i32
    }
    %scan3A_8 = arith.constant 80 : i32
    return
  }
}

</mosaic_0001>

<sc_bundles>
// kernel: _sc_gather.3.cloned.1.call-start
scs
__scs_entry_jumppad:
0x0: {  	(pc) =	sbr.rel $0x88, $3  }
0x1: {  	(tag) =	ssettag $0x0;
	lr =	simm.s32 $0x1  }
0x2: {  	[smem:$0x3F9D] =	sst lr;
	_ =	strace $0xD0000000  }
0x3: {  	_ = 	snop  }
0x4: {  	_ = 	snop  }
0x5: {  	_ = 	snop  }
0x6: {  	_ = 	snop  }
0x7: {  	_ = 	snop  }
__scs_overlays_trampoline_lowered:
0x8: {  	[smem:$0x3FAC] =	sst s0  }
0x9: {  	[smem:$0x3FAD] =	sst s1  }
0xa: {  	[smem:$0x3FAE] =	sst s2  }
0xb: {  	[smem:$0x3FAF] =	sst s3  }
0xc: {  	[smem:$0x3FB0] =	sst s4  }
0xd: {  	[smem:$0x3FB1] =	sst s5  }
0xe: {  	[smem:$0x3FB2] =	sst s6  }
0xf: {  	[smem:$0x3FB3] =	sst s7  }
0x10: {  	[smem:$0x3FB4] =	sst s8  }
0x11: {  	[smem:$0x3FB5] =	sst s9;
	s0 =	simm.s32 @!p0 $0x0  }
0x12: {  	s1 =	sld [smem:$0x3F9B];
	s0 =	simm.s32 @p0 $0x1  }
0x13: {  	[smem:$0x3FB6] =	sst s0;
	s0 =	simm.s32 @!p1 $0x0  }
0x14: {  	s2 =	sld [smem:$0x3F9A];
	s0 =	simm.s32 @p1 $0x1  }
0x15: {  	[smem:$0x3FB7] =	sst s0;
	s0 =	simm.s32 @!p2 $0x0  }
0x16: {  	s3 =	sld [smem:$0x3FDB];
	s0 =	simm.s32 @p2 $0x1  }
0x17: {  	s4 =	simm.s32 $0x1BF5;
	[smem:$0x3FB9] =	sst s0  }
0x18: {  	s0 =	sld [smem:$0x3F9C];
	_ =	swait.ge [sflag:s4], $0x0  }
0x19: {  	s7 =	sld [smem:$0x3F9D]  }
0x1a: {  	s8 =	sadd.s32 $0xFFFFE003, lr  }
0x1b: {  	s9 =	sadd.s32 $0xFFFFFEF7, lr;
	s5 =	simm.s32 $0xFFFFFFFF;
	p2 =	slt.u32 s8, $0xFFFFF086  }
0x1c: {  	p1 =	slt.u32 s9, $0xF7A;
	s5 =	simm.s32 @!p2 $0x0  }
0x1d: {  	s5 =	simm.s32 @p1 $0x1;
	p0 =	seq.s32 s7, s2  }
0x1e: {  	s7 =	smul.u32 @!p0 $0xF7A, s2;
	p2 =	seq.s32 @!p0 s5, $0x0  }
0x1f: {  	s9 =	smul.u32 $0xF7A, s1;
	s8 =	simm.s32 @!p0 $0x1BF5;
	p2 =	por !p2, p0  }
0x20: {  	[sflag:s8] =	ssyncset.s32 @!p0 $0xFFFFF086;
	s6 =	sadd.s32 @!p0 s3, s7;
	s7 =	simm.s32 @!p0 $0x108  }
0x21: {  	s3 =	sadd.s32 s3, s9;
	s6 =	sadd.s32 @!p0 $0x88, s6;
	s7 =	simm.s32 @p2 $0x1082  }
0x22: {  	[simem:s7], [sflag:s8] =	dma.local @!p0 [hbm:s6], $0xF7A  }
0x23: {  	s9 =	sor.u32 $0xD0000000, s2;
	s6 =	simm.s32 $0x108;
	_ =	swait.ge @!p0 [sflag:s8], $0x0  }
0x24: {  	s3 =	sadd.s32 $0x88, s3;
	s6 =	simm.s32 @!p1 $0x1082;
	[sflag:s4] =	ssyncset.s32 $0xFFFFF086  }
0x25: {  	[simem:s6], [sflag:s4] =	dma.local [hbm:s3], $0xF7A  }
0x26: {  	[smem:$0x3F9D] =	sst s1;
	(tag) =	ssettag s2;
	_ =	strace s9  }
0x27: {  	s1 =	sld [smem:$0x3FAD]  }
0x28: {  	s2 =	sld [smem:$0x3FAE]  }
0x29: {  	s4 =	sld [smem:$0x3FB0]  }
0x2a: {  	p0 =	seq.s32 s5, $0x0;
	s5 =	sld [smem:$0x3FB1]  }
0x2b: {  	s6 =	sld [smem:$0x3FB2]  }
0x2c: {  	s7 =	sld [smem:$0x3FB3]  }
0x2d: {  	s3 =	simm.s32 $0x108;
	s8 =	sld [smem:$0x3FB4]  }
0x2e: {  	s3 =	simm.s32 @!p0 $0x1082;
	s9 =	sld [smem:$0x3FB5]  }
0x2f: {  	lr =	sadd.s32 s0, s3;
	s0 =	sld [smem:$0x3FAC]  }
0x30: {  	s3 =	sld [smem:$0x3FAF]  }
0x31: {  	[smem:$0x3FB8] =	sst s10  }
0x32: {  	s10 =	sld [smem:$0x3FB6];
	_ =	sdelay $0x3  }
0x33: {  	p0 =	seq.s32 s10, $0x1;
	s10 =	sld [smem:$0x3FB8];
	_ =	sdelay $0x3  }
0x34: {  	[smem:$0x3FB8] =	sst s10  }
0x35: {  	s10 =	sld [smem:$0x3FB7];
	_ =	sdelay $0x3  }
0x36: {  	p1 =	seq.s32 s10, $0x1;
	s10 =	sld [smem:$0x3FB8];
	_ =	sdelay $0x3  }
0x37: {  	[smem:$0x3FB8] =	sst s10  }
0x38: {  	s10 =	sld [smem:$0x3FB9]  }
0x39: {  	_ = 	snop;
	(pc) =	sbr.ind lr, $3  }
0x3a: {  	_ = 	snop  }
0x3b: {  	_ = 	snop  }
0x3c: {  	p2 =	seq.s32 s10, $0x1;
	s10 =	sld [smem:$0x3FB8]  }
0x3d: {  	_ =	shalt  }
0x3e: {  	_ =	shalt  }
0x3f: {  	_ =	shalt  }
0x40: {  	_ =	shalt  }
0x41: {  	_ =	shalt  }
0x42: {  	_ =	shalt  }
0x43: {  	_ =	shalt  }
0x44: {  	_ =	shalt  }
0x45: {  	_ =	shalt  }
0x46: {  	_ =	shalt  }
0x47: {  	_ =	shalt  }
0x48: {  	_ =	shalt  }
0x49: {  	_ =	shalt  }
0x4a: {  	_ =	shalt  }
0x4b: {  	_ =	shalt  }
0x4c: {  	_ =	shalt  }
0x4d: {  	_ =	shalt  }
0x4e: {  	_ =	shalt  }
0x4f: {  	_ =	shalt  }
0x50: {  	_ =	shalt  }
0x51: {  	_ =	shalt  }
0x52: {  	_ =	shalt  }
0x53: {  	_ =	shalt  }
0x54: {  	_ =	shalt  }
0x55: {  	_ =	shalt  }
0x56: {  	_ =	shalt  }
0x57: {  	_ =	shalt  }
0x58: {  	_ =	shalt  }
0x59: {  	_ =	shalt  }
0x5a: {  	_ =	shalt  }
0x5b: {  	_ =	shalt  }
0x5c: {  	_ =	shalt  }
0x5d: {  	_ =	shalt  }
0x5e: {  	_ =	shalt  }
0x5f: {  	_ =	shalt  }
0x60: {  	_ =	shalt  }
0x61: {  	_ =	shalt  }
0x62: {  	_ =	shalt  }
0x63: {  	_ =	shalt  }
0x64: {  	_ =	shalt  }
0x65: {  	_ =	shalt  }
0x66: {  	_ =	shalt  }
0x67: {  	_ =	shalt  }
0x68: {  	_ =	shalt  }
0x69: {  	_ =	shalt  }
0x6a: {  	_ =	shalt  }
0x6b: {  	_ =	shalt  }
0x6c: {  	_ =	shalt  }
0x6d: {  	_ =	shalt  }
0x6e: {  	_ =	shalt  }
0x6f: {  	_ =	shalt  }
0x70: {  	_ =	shalt  }
0x71: {  	_ =	shalt  }
0x72: {  	_ =	shalt  }
0x73: {  	_ =	shalt  }
0x74: {  	_ =	shalt  }
0x75: {  	_ =	shalt  }
0x76: {  	_ =	shalt  }
0x77: {  	_ =	shalt  }
0x78: {  	_ =	shalt  }
0x79: {  	_ =	shalt  }
0x7a: {  	_ =	shalt  }
0x7b: {  	_ =	shalt  }
0x7c: {  	_ =	shalt  }
0x7d: {  	_ =	shalt  }
0x7e: {  	_ =	shalt  }
0x7f: {  	_ =	shalt  }
0x80: {  	_ =	shalt  }
0x81: {  	_ =	shalt  }
0x82: {  	_ =	shalt  }
0x83: {  	_ =	shalt  }
0x84: {  	_ =	shalt  }
0x85: {  	_ =	shalt  }
0x86: {  	_ =	shalt  }
0x87: {  	_ =	shalt  }
.Lfunc_end0:
.L_simem_size_0:
called_computation_lowered:
.L_overlay_start_0:
0x88: {  	s2 =	sld [smem:$0x3FD9]  }
0x89: {  	s3 =	sld [smem:$0x3FFE];
	_ =	sdelay $0x1  }
0x8a: {  	s1 =	srdreg.scid  }
0x8b: {  	s0 =	sand.u32 $0x1, s1  }
0x8c: {  	s15 =	sshll.u32 s0, $0xA;
	s2 =	sadd.s32 s3, s2  }
0x8d: {  	s2 =	sadd.s32 s2, s15  }
0x8e: {  	[smem:$0x3FC4] =	sst s2  }
0x8f: {  	_ = 	snop  }
0x90: {  	s2 =	sld [smem:$0x3FC9]  }
0x91: {  	s16 =	sld [smem:$0x3FD0]  }
0x92: {  	s4 =	sld [smem:$0x3FC8]  }
0x93: {  	s5 =	sld [smem:$0x3FC7]  }
0x94: {  	s7 =	simm.s32 $0xA;
	s8 =	simm.s32 $0x10;
	s6 =	sld [smem:$0x3FC6]  }
0x95: {  	[smem:s8], [sflag:s7] =	dma.local [hbm:s16], $0x1  }
0x96: {  	_ =	swait.eq [sflag:s7], $0x1  }
0x97: {  	[sflag:s7] =	ssyncset.done $0x0  }
0x98: {  	s17 =	sld [smem:$0x10];
	[sflag:s7] =	ssyncadd.s32 $0xFFFFFFFF  }
0x99: {  	s18 =	sld [smem:$0x11];
	(tm) =	ssettm $0x1  }
0x9a: {  	s19 =	sld [smem:$0x3FFB];
	_ =	sdelay $0x3  }
0x9b: {  	_ =	strace s19  }
0x9c: {  	s8 =	sld [smem:$0x3FFC];
	_ =	sdelay $0x3  }
0x9d: {  	_ =	strace s8  }
0x9e: {  	s8 =	sld [smem:$0x3FFD];
	_ =	sdelay $0x3  }
0x9f: {  	_ =	strace s8  }
0xa0: {  	_ =	strace $0x8FFFFFFF  }
0xa1: {  	s20 =	sld [smem:$0x3FDB];
	_ =	sdelay $0x1  }
0xa2: {  	s9 =	simm.s32 $_scs_section_size  }
0xa3: {  	s10 =	simm.s32 $_size__tile_overlayer_lowered;
	s11 =	simm.s32 $_tile_overlayer_lowered  }
0xa4: {  	s23 =	simm.s32 $0x1BFF;
	s22 =	sshll.u32 s11, $0x1;
	s8 =	sadd.s32 s9, s20  }
0xa5: {  	s12 =	simm.s32 $0x0;
	s21 =	sshll.u32 s10, $0x1;
	s10 =	sadd.s32 s22, s8  }
0xa6: {  	[timem:s12], [sflag:s23] =	dma.local [hbm:s10], s21  }
0xa7: {  	_ =	swait.ge [sflag:s23], s21  }
0xa8: {  	s9 =	ssub.s32 $0x0, s21;
	[sflag:s23] =	ssyncset.done $0x0  }
0xa9: {  	[sflag:s23] =	ssyncadd.s32 s9;
	_ =	sdelay $0x1  }
0xaa: {  	s24 =	simm.s32 $0x1B8B  }
0xab: {  	_ =	swait.ge [sflag:s24], $0x1  }
0xac: {  	[sflag:s24] =	ssyncset.done $0x0  }
0xad: {  	s25 =	simm.s32 $0x1B8E;
	[sflag:s24] =	ssyncadd.s32 $0xFFFFFFFF  }
0xae: {  	s26 =	simm.s32 $execute0_lowered;
	[smem:$0x3FD2] =	sst s25  }
0xaf: {  	s9 =	sshll.u32 s26, $0x1;
	_ =	strace $0x80000046;
	[dreg:$0x1] =	wrdreg $0xFFFFFFFF  }
0xb0: {  	s28 =	simm.s32 $_size_execute0_lowered;
	s8 =	sadd.s32 s8, s9;
	[dreg:$0x0] =	wrdreg $0x0  }
0xb1: {  	s9 =	sshll.u32 s28, $0x1;
	[dreg:$0x2] =	wrdreg s8  }
0xb2: {  	[dreg:$0x3] =	wrdreg s9  }
0xb3: {  	[dreg:$0x4] =	wrdreg $0xC0  }
0xb4: {  	_ =	task [dreg:s12], $0x5FFFF  }
0xb5: {  	[dreg:$0x1] =	wrdreg $0xFFFFFFFF  }
0xb6: {  	[dreg:$0x0] =	wrdreg $0x60  }
0xb7: {  	[dreg:$0x2] =	wrdreg s2  }
0xb8: {  	[dreg:$0x3] =	wrdreg s4  }
0xb9: {  	[dreg:$0x4] =	wrdreg s5  }
0xba: {  	[dreg:$0x5] =	wrdreg s6  }
0xbb: {  	[dreg:$0x6] =	wrdreg s17  }
0xbc: {  	[dreg:$0x7] =	wrdreg s18  }
0xbd: {  	[dreg:$0x8] =	wrdreg $0x9  }
0xbe: {  	_ =	task.clear_ibuf [dreg:s12], $0x9FFFF;
	_ =	strace $0x90000046  }
0xbf: {  	s29 =	simm.s32 $0x9;
	_ =	strace $0x80000048  }
0xc0: {  	_ =	swait.ge [sflag:s29], $0x1  }
0xc1: {  	[sflag:s29] =	ssyncadd.s32 $0xFFFFFFFF  }
0xc2: {  	_ =	strace $0x90000048  }
0xc3: {  	_ =	sfence  }
0xc4: {  	s30 =	sld [smem:$0x0];
	_ =	sdelay $0x2  }
0xc5: {  	s31 =	sshll.u32 s1, $0xD;
	s1 =	sshrl.u32 s1, $0x2  }
0xc6: {  	s3 =	sand.u32 $0x4000, s31;
	s1 =	sadd.s32 s1, s30  }
0xc7: {  	s0 =	sor.u32 s3, s0;
	s1 =	sshll.u32 s1, $0x11  }
0xc8: {  	s0 =	sor.u32 s1, s0  }
0xc9: {  	s0 =	sadd.s32 $0x8F2B, s0  }
0xca: {  	[sflag:s0] =	ssyncadd.remote.s32 $0x1  }
0xcb: {  	_ =	sfence.sel $0xFFFF  }
0xcc: {  	[dreg:$0x0] =	wrdreg $0xFFFFFFFF;
	(pc) =	sbr.abs _section_cstart, $3  }
0xcd: {  	[dreg:$0x1] =	wrdreg $0xFFFFFFFF  }
0xce: {  	_ =	task.clear_ibuf [dreg:s12], $0x2FFFF;
	_ =	strace $0x9FFFFFFF  }
0xcf: {  	(tm) =	ssettm $0x7FFFFFFF  }
tec
execute0_lowered:
.L_overlay_start_1:
0x0: {  	(tag) =	ssettag $0x1  }
0x1: {  	s0 =	rddreg [dreg:$0x0]  }
0x2: {  	s1 =	rddreg [dreg:$0x1]  }
0x3: {  	s9 =	rddreg [dreg:$0x2]  }
0x4: {  	s8 =	rddreg [dreg:$0x3]  }
0x5: {  	s6 =	rddreg [dreg:$0x4]  }
0x6: {  	s7 =	rddreg [dreg:$0x5]  }
0x7: {  	s4 =	srdreg.scid;
	s3 =	stileid.u32  }
0x8: {  	s2 =	rddreg [dreg:$0x6];
	s15 =	simm.s32 $0x0;
	s10 =	smul.u32 $0x50000, s3  }
0x9: {  	s5 =	sand.u32 $0x1, s4;
	s4 =	simm.s32 $0x0;
	s12 =	smul.u32 $0x5000, s3  }
0xa: {  	s11 =	ssub.s32 $0x2, s5;
	[smem:$0x7FF] =	sst s4;
	s14 =	smul.u32 $0x2800, s5  }
0xb: {  	s29 =	smul.u32 $0x28000, s5;
	s13 =	sshrl.u32 s11, $0x1;
	_ =	strace $0x80000047  }
0xc: {  	s6 =	sadd.s32 s10, s6;
	s7 =	sadd.s32 s10, s7;
	s10 =	simm.s32 $0x2  }
0xd: {  	s11 =	ssub.s32 s11, s13;
	s30 =	sadd.s32 s14, s12;
	s6 =	sadd.s32 s29, s6  }
0xe: {  	s7 =	sadd.s32 s29, s7;
	s12 =	simm.s32 $0x100;
	s13 =	simm.s32 $0x4100  }
0xf: {  	s14 =	simm.s32 $0x1;
	s5 =	smax.u32 s11, $0x1;
	s31 =	sshrl.u32 s30, $0x3  }
0x10: {  	s11 =	simm.s32 $0x80;
	s8 =	sadd.s32 s31, s8;
	s9 =	sadd.s32 s31, s9  }
.LBB2_1:
0x11: {  	s16 =	sadd.s32 $0x0, s9  }
0x12: {  	[tilespmem:s4], [sflag:$0x2] =	stream.linear.gather [hbm4b:s16+s4], $0x80, $0x38;
	[tilespmem:$0x8100] =	vst v63  }
0x13: {  	_ =	swait.ge [sflag:s10], $0x80  }
0x14: {  	[sflag:s10] =	ssyncset.done $0x0  }
0x15: {  	s31 =	sadd.s32 $0x0, s8;
	[sflag:s10] =	ssyncadd.s32 $0xFFFFFF80  }
0x16: {  	[tilespmem:s11], [sflag:$0x2] =	stream.linear.gather [hbm4b:s31+s4], $0x80, $0x38;
	[tilespmem:$0x8100] =	vst v63  }
0x17: {  	_ =	swait.ge [sflag:s10], $0x80  }
0x18: {  	[sflag:s10] =	ssyncset.done $0x0  }
0x19: {  	[sflag:s10] =	ssyncadd.s32 $0xFFFFFF80  }
0x1a: {  	[tilespmem:s12], [sflag:$0x1] =	stream.indirect.gather [hbm4b:s0+s11], $0x80, s4, s11, $0xb8;
	[tilespmem:$0x8100] =	vst v63  }
0x1b: {  	_ = 	snop  }
0x1c: {  	[tilespmem:s13], [sflag:$0x1] =	stream.indirect.gather [hbm4b:s1+s11], $0x80, s11, s11, $0xb8;
	[tilespmem:$0x8100] =	vst v63  }
0x1d: {  	_ =	swait.ge [sflag:s14], $0x4000  }
0x1e: {  	[sflag:s14] =	ssyncset.done $0x0  }
0x1f: {  	[sflag:s14] =	ssyncadd.s32 $0xFFFFC000  }
0x20: {  	_ =	swait.ge [sflag:s14], $0x4000  }
0x21: {  	[sflag:s14] =	ssyncset.done $0x0  }
0x22: {  	[sflag:s14] =	ssyncadd.s32 $0xFFFFC000  }
0x23: {  	[hbm4b:s6+s4] =	stream.linear.scatter [tilespmem:s12], [sflag:$0x2], $0x4000, $0x38;
	[tilespmem:$0x8100] =	vst v63  }
0x24: {  	_ =	swait.ge [sflag:s10], $0x4000  }
0x25: {  	[sflag:s10] =	ssyncset.done $0x0  }
0x26: {  	[sflag:s10] =	ssyncadd.s32 $0xFFFFC000  }
0x27: {  	[hbm4b:s7+s4] =	stream.linear.scatter [tilespmem:s13], [sflag:$0x2], $0x4000, $0x38;
	[tilespmem:$0x8100] =	vst v63  }
0x28: {  	s18 =	simm.s32 $0x10;
	s19 =	simm.s32 $0x20;
	_ =	swait.ge [sflag:s10], $0x4000  }
0x29: {  	s17 =	sadd.s32 $0x800, s6;
	s16 =	sadd.s32 $0x800, s7;
	[sflag:s10] =	ssyncset.done $0x0  }
.LBB2_2:
0x2a: {  	s20 =	sadd.s32 s18, s9  }
0x2b: {  	[sflag:s10] =	ssyncadd.s32 $0xFFFFC000;
	s21 =	smov.u32 s19;
	s22 =	sadd.s32 $0x10, s19  }
0x2c: {  	[tilespmem:s4], [sflag:$0x2] =	stream.linear.gather [hbm4b:s20+s4], $0x80, $0x38;
	[tilespmem:$0x8100] =	vst v63  }
0x2d: {  	p0 =	sne.s32 s19, $0x4F0;
	_ =	swait.ge [sflag:s10], $0x80  }
0x2e: {  	[sflag:s10] =	ssyncset.done $0x0  }
0x2f: {  	s19 =	sadd.s32 s18, s8;
	s18 =	smov.u32 s21;
	[sflag:s10] =	ssyncadd.s32 $0xFFFFFF80  }
0x30: {  	[tilespmem:s11], [sflag:$0x2] =	stream.linear.gather [hbm4b:s19+s4], $0x80, $0x38;
	[tilespmem:$0x8100] =	vst v63  }
0x31: {  	_ =	swait.ge [sflag:s10], $0x80  }
0x32: {  	[sflag:s10] =	ssyncset.done $0x0  }
0x33: {  	[sflag:s10] =	ssyncadd.s32 $0xFFFFFF80  }
0x34: {  	[tilespmem:s12], [sflag:$0x1] =	stream.indirect.gather [hbm4b:s0+s11], $0x80, s4, s11, $0xb8;
	[tilespmem:$0x8100] =	vst v63  }
0x35: {  	_ = 	snop  }
0x36: {  	[tilespmem:s13], [sflag:$0x1] =	stream.indirect.gather [hbm4b:s1+s11], $0x80, s11, s11, $0xb8;
	[tilespmem:$0x8100] =	vst v63  }
0x37: {  	_ =	swait.ge [sflag:s14], $0x4000  }
0x38: {  	[sflag:s14] =	ssyncset.done $0x0  }
0x39: {  	[sflag:s14] =	ssyncadd.s32 $0xFFFFC000  }
0x3a: {  	_ =	swait.ge [sflag:s14], $0x4000  }
0x3b: {  	[sflag:s14] =	ssyncset.done $0x0  }
0x3c: {  	[sflag:s14] =	ssyncadd.s32 $0xFFFFC000  }
0x3d: {  	[hbm4b:s17+s4] =	stream.linear.scatter [tilespmem:s12], [sflag:$0x2], $0x4000, $0x38;
	[tilespmem:$0x8100] =	vst v63  }
0x3e: {  	_ =	swait.ge [sflag:s10], $0x4000  }
.Ltmp0:
0x3f: {  	[sflag:s10] =	ssyncset.done $0x0;
	(pc) =	sbr.rel @p0 .LBB2_2-.Ltmp0, $4  }
0x40: {  	[sflag:s10] =	ssyncadd.s32 $0xFFFFC000  }
0x41: {  	[hbm4b:s16+s4] =	stream.linear.scatter [tilespmem:s13], [sflag:$0x2], $0x4000, $0x38;
	[tilespmem:$0x8100] =	vst v63  }
0x42: {  	s19 =	smov.u32 s22;
	_ =	swait.ge [sflag:s10], $0x4000  }
0x43: {  	s17 =	sadd.s32 $0x800, s17;
	s16 =	sadd.s32 $0x800, s16;
	[sflag:s10] =	ssyncset.done $0x0  }
0x44: {  	s19 =	sadd.s32 s18, s9;
	[sflag:s10] =	ssyncadd.s32 $0xFFFFC000  }
0x45: {  	[tilespmem:s4], [sflag:$0x2] =	stream.linear.gather [hbm4b:s19+s4], $0x80, $0x38;
	[tilespmem:$0x8100] =	vst v63  }
0x46: {  	_ =	swait.ge [sflag:s10], $0x80  }
0x47: {  	[sflag:s10] =	ssyncset.done $0x0  }
0x48: {  	s31 =	sadd.s32 s18, s8;
	[sflag:s10] =	ssyncadd.s32 $0xFFFFFF80  }
0x49: {  	[tilespmem:s11], [sflag:$0x2] =	stream.linear.gather [hbm4b:s31+s4], $0x80, $0x38;
	[tilespmem:$0x8100] =	vst v63  }
0x4a: {  	_ =	swait.ge [sflag:s10], $0x80  }
0x4b: {  	[sflag:s10] =	ssyncset.done $0x0  }
0x4c: {  	[sflag:s10] =	ssyncadd.s32 $0xFFFFFF80  }
0x4d: {  	[tilespmem:s12], [sflag:$0x1] =	stream.indirect.gather [hbm4b:s0+s11], $0x80, s4, s11, $0xb8;
	[tilespmem:$0x8100] =	vst v63  }
0x4e: {  	_ = 	snop  }
0x4f: {  	[tilespmem:s13], [sflag:$0x1] =	stream.indirect.gather [hbm4b:s1+s11], $0x80, s11, s11, $0xb8;
	[tilespmem:$0x8100] =	vst v63  }
0x50: {  	_ =	swait.ge [sflag:s14], $0x4000  }
0x51: {  	[sflag:s14] =	ssyncset.done $0x0  }
0x52: {  	[sflag:s14] =	ssyncadd.s32 $0xFFFFC000  }
0x53: {  	_ =	swait.ge [sflag:s14], $0x4000  }
0x54: {  	[sflag:s14] =	ssyncset.done $0x0  }
0x55: {  	[sflag:s14] =	ssyncadd.s32 $0xFFFFC000  }
0x56: {  	[hbm4b:s17+s4] =	stream.linear.scatter [tilespmem:s12], [sflag:$0x2], $0x4000, $0x38;
	[tilespmem:$0x8100] =	vst v63  }
0x57: {  	s15 =	sadd.s32 $0x1, s15;
	_ =	swait.ge [sflag:s10], $0x4000  }
0x58: {  	p0 =	sne.s32 s15, s5;
	[sflag:s10] =	ssyncset.done $0x0  }
.Ltmp1:
0x59: {  	[sflag:s10] =	ssyncadd.s32 $0xFFFFC000;
	(pc) =	sbr.rel @p0 .LBB2_1-.Ltmp1, $4  }
0x5a: {  	[hbm4b:s16+s4] =	stream.linear.scatter [tilespmem:s13], [sflag:$0x2], $0x4000, $0x38;
	[tilespmem:$0x8100] =	vst v63  }
0x5b: {  	_ =	swait.ge [sflag:s10], $0x4000  }
0x5c: {  	[sflag:s10] =	ssyncset.done $0x0  }
0x5d: {  	[sflag:s10] =	ssyncadd.s32 $0xFFFFC000  }
0x5e: {  	_ =	sfence.sel $0x180000  }
0x5f: {  	[bflag:$0x0] =	sbarrier.arrive $0xFFFF  }
0x60: {  	p0 =	sne.s32 s3, $0x0;
	_ =	strace $0x90000047  }
0x61: {  	s0 =	sadd.s32 @!p0 $0x100000, s2;
	[bflag:$0x2] =	sbarrier.arrive $0xFFFF  }
0x62: {  	[sflag:s0] =	ssyncadd.tile.s32 @!p0 $0x1;
	_ =	shalt  }
.Lfunc_end2:
_tile_overlayer_lowered:
.L_overlay_start_2:
0x63: {  	(tag) =	ssettag $0x2  }
0x64: {  	s0 =	rddreg [dreg:$0x0];
	s2 =	stileid.u32  }
0x65: {  	s1 =	rddreg [dreg:$0x1];
	p0 =	sne.s32 s2, $0x0  }
0x66: {  	s3 =	rddreg [dreg:$0x2];
	[bflag:$0x3] =	sbarrier.arrive $0xFFFF;
	s2 =	simm.s32 @!p0 $0x1C02  }
0x67: {  	[timem:s3], [sflag:s2] =	dma.local @!p0 [hbm:s0], s1  }
0x68: {  	s0 =	simm.s32 @!p0 $0x2  }
0x69: {  	_ =	swait.ge @!p0 [sflag:s0], s1  }
0x6a: {  	s1 =	ssub.s32 @!p0 $0x0, s1;
	[sflag:s0] =	ssyncset.done @!p0 $0x0  }
0x6b: {  	[sflag:s0] =	ssyncadd.s32 @!p0 s1  }
0x6c: {  	[bflag:$0x3] =	sbarrier.arrive $0xFFFF  }
0x6d: {  	_ =	shalt  }

</sc_bundles>
